<compile_context>
chip_gen: v7x
topology: tpu7x:2x2x1
jax: 0.10.2.dev20260603
libtpu: 0.0.44.dev20260713+nightly
codegen_flags: <defaults>
</compile_context>

<pallas_src>
import functools

import jax
import jax.numpy as jnp
from jax import lax
from jax.experimental import pallas as pl
from jax.experimental.pallas import tpu as pltpu
from jax.experimental.pallas import tpu_sc as plsc

_N = 100000
_D = 128
_S = 1024
_CH = 128
_NCHUNKS = (_N + _CH - 1) // _CH
_NFULL = _N // _CH
_TAIL = _N - _NFULL * _CH
_NW = 32
_ZROWS = _S // 16

_BN = 1000


def _tc_weight_body(f_ref, w_ref, b_ref, o_ref):
    f = f_ref[...]
    x = lax.dot_general(f, w_ref[...], (((1,), (0,)), ((), ())),
                        preferred_element_type=jnp.float32)
    g = jax.nn.sigmoid(x + b_ref[...])
    o_ref[...] = f * g


def _tc_weight(feats, w, b2):
    n, d = feats.shape
    return pl.pallas_call(
        _tc_weight_body,
        grid=(n // _BN,),
        in_specs=[
            pl.BlockSpec((_BN, d), lambda i: (i, 0)),
            pl.BlockSpec((d, 1), lambda i: (0, 0)),
            pl.BlockSpec((1, 1), lambda i: (0, 0)),
        ],
        out_specs=pl.BlockSpec((_BN, d), lambda i: (i, 0)),
        out_shape=jax.ShapeDtypeStruct((n, d), jnp.float32),
    )(feats, w, b2)


def _combine_body(p_ref, o_ref):
    o_ref[...] = p_ref[0] + p_ref[1]


def _tc_combine(parts):
    return pl.pallas_call(
        _combine_body,
        out_shape=jax.ShapeDtypeStruct((_S, _D), jnp.float32),
    )(parts)


def _sc_scatter_build():
    mesh = plsc.VectorSubcoreMesh(core_axis_name="c", subcore_axis_name="s")

    @functools.partial(
        pl.kernel,
        mesh=mesh,
        out_type=jax.ShapeDtypeStruct((2 * _S, _D), jnp.float32),
        scratch_types=[
            pltpu.VMEM((_CH, _D), jnp.float32),
            pltpu.VMEM((_CH,), jnp.int32),
            pltpu.VMEM((_TAIL,), jnp.int32),
            pltpu.VMEM_SHARED((_S, _D), jnp.float32),
        ],
    )
    def _sc_scatter(wf_hbm, ids_hbm, zeros_hbm, out_hbm,
                    rows_v, idx_v, idxt_v, acc_sh):
        c = lax.axis_index("c")
        s = lax.axis_index("s")
        w = s * 2 + c

        pltpu.sync_copy(zeros_hbm, acc_sh.at[pl.ds(s * _ZROWS, _ZROWS)])
        plsc.subcore_barrier()

        nk = (_NCHUNKS - 1 - w) // _NW + 1

        def body(k, carry):
            cid = w + k * _NW
            base = cid * _CH

            @pl.when(cid < _NFULL)
            def _full():
                pltpu.sync_copy(ids_hbm.at[pl.ds(base, _CH)], idx_v)
                pltpu.sync_copy(wf_hbm.at[pl.ds(base, _CH)], rows_v)
                pltpu.sync_copy(rows_v, acc_sh.at[idx_v], add=True)

            @pl.when(cid == _NFULL)
            def _tail():
                pltpu.sync_copy(ids_hbm.at[pl.ds(base, _TAIL)], idxt_v)
                pltpu.sync_copy(wf_hbm.at[pl.ds(base, _TAIL)],
                                rows_v.at[pl.ds(0, _TAIL)])
                pltpu.sync_copy(rows_v.at[pl.ds(0, _TAIL)],
                                acc_sh.at[idxt_v], add=True)

            return carry

        lax.fori_loop(0, nk, body, 0)

        plsc.subcore_barrier()
        pltpu.sync_copy(acc_sh.at[pl.ds(s * _ZROWS, _ZROWS)],
                        out_hbm.at[pl.ds(c * _S + s * _ZROWS, _ZROWS)])

    return _sc_scatter


_sc_scatter_call = _sc_scatter_build()


def kernel(feats, segment_ids, num_segments, W, b):
    del num_segments
    wf = _tc_weight(feats, W, jnp.reshape(b, (1, 1)))
    ids = segment_ids.astype(jnp.int32)
    zeros = jnp.zeros((_ZROWS, _D), jnp.float32)
    parts = _sc_scatter_call(wf, ids, zeros)
    return _tc_combine(jnp.reshape(parts, (2, _S, _D)))

# --- scband reference (transcript-rebuilt; emitter-appended) ---
"""Pipeline reference for scband-weight-and-sum-79388175499518 (READ-ONLY COPY).

The authoritative reference and input builder live on the scoring server;
editing this copy changes nothing except your own understanding.
"""

import jax, jax.numpy as jnp
import numpy as np

N = 100000
D = 128
S = 1024

def setup_inputs(seed: int = 0) -> dict:
    key = jax.random.key(seed)
    k1, k2, k3, k4 = jax.random.split(key, 4)
    feats = jax.random.normal(k1, (N, D), dtype=jnp.float32)
    segment_ids = jnp.sort(jax.random.randint(k2, (N,), 0, S))
    bound = 1.0 / np.sqrt(D)
    W = jax.random.uniform(k3, (D, 1), dtype=jnp.float32, minval=-bound, maxval=bound)
    b = jax.random.uniform(k4, (1,), dtype=jnp.float32, minval=-bound, maxval=bound)
    return {"feats": feats, "segment_ids": segment_ids, "num_segments": S, "W": W, "b": b}

def reference(feats, segment_ids, num_segments, W, b):
    # weighting_of_nodes: Linear(d_in, 1) followed by Sigmoid
    weights = jax.nn.sigmoid(feats @ W + b).squeeze(-1)  # [N]
    # weight each node's feature vector by its scalar gate
    weight_feats = feats * weights[:, None]  # [N, D]
    # scatter_add per-segment (graph readout): zeros[S, D].at[seg].add(vals)
    valid = (segment_ids < num_segments)[:, None]  # [N, 1]
    contrib = jnp.where(valid, weight_feats, jnp.zeros_like(weight_feats))
    summed_nodes = jnp.zeros((S, feats.shape[1]), dtype=feats.dtype).at[segment_ids].add(contrib)
    return summed_nodes

if __name__ == "__main__":
    import jax
    _d = setup_inputs()
    print(jax.jit(kernel)(*tuple(_d.values())))

</pallas_src>

<mosaic_0001>
#map = affine_map<(d0, d1) -> (0, 0)>
#map1 = affine_map<(d0, d1) -> (0)>
module attributes {stable_mosaic.version = 14 : i64} {
  func.func @_sc_scatter(%arg0: i32, %arg1: i32, %arg2: memref<100000x128xf32, #tpu.memory_space<hbm>>, %arg3: memref<100000xi32, #tpu.memory_space<hbm>>, %arg4: memref<64x128xf32, #tpu.memory_space<hbm>>, %arg5: memref<2048x128xf32, #tpu.memory_space<hbm>>, %arg6: memref<128x128xf32, #tpu.memory_space<vmem>>, %arg7: memref<128xi32, #tpu.memory_space<vmem>>, %arg8: memref<32xi32, #tpu.memory_space<vmem>>, %arg9: memref<1024x128xf32, #tpu.memory_space<vmem_shared>>) attributes {dimension_semantics = [#tpu.dimension_semantics<core_parallel>, #tpu.dimension_semantics<subcore_parallel>], iteration_bounds = array<i64: 2, 16>, scalar_prefetch = 0 : i64, scratch_operands = 4 : i64, tpu.core_type = #tpu.core_type<sc_vector_subcore>, window_params = [{transform_indices = #map}, {transform_indices = #map1}, {transform_indices = #map}, {transform_indices = #map}]} {
    %mul3A = arith.constant 2 : i32
    %mul3A_0 = arith.muli %arg1, %mul3A : i32
    %add3A = arith.addi %mul3A_0, %arg0 : i32
    %mul3A_1 = arith.constant 64 : i32
    %mul3A_2 = arith.muli %arg1, %mul3A_1 : i32
    "tpu.region"() ({
      %run_scoped3A = tpu.sem_alloc : memref<!tpu.dma_semaphore, #tpu.memory_space<semaphore_mem>>
      %dma_start3A = arith.constant 0 : i32
      %dma_start3A_40 = tpu.memref_slice %arg9[%mul3A_2, %dma_start3A] : memref<1024x128xf32, #tpu.memory_space<vmem_shared>> -> memref<64x128xf32, #tpu.memory_space<vmem_shared>>
      tpu.enqueue_dma source(%arg4 : memref<64x128xf32, #tpu.memory_space<hbm>>) target(%dma_start3A_40 : memref<64x128xf32, #tpu.memory_space<vmem_shared>>) target_semaphore(%run_scoped3A : memref<!tpu.dma_semaphore, #tpu.memory_space<semaphore_mem>>)
      %dma_wait3A = arith.constant 0 : i32
      %dma_wait3A_41 = tpu.memref_slice %arg9[%mul3A_2, %dma_wait3A] : memref<1024x128xf32, #tpu.memory_space<vmem_shared>> -> memref<64x128xf32, #tpu.memory_space<vmem_shared>>
      tpu.wait_dma2 semaphore(%run_scoped3A : memref<!tpu.dma_semaphore, #tpu.memory_space<semaphore_mem>>) src(%arg4 : memref<64x128xf32, #tpu.memory_space<hbm>>) dst(%dma_wait3A_41 : memref<64x128xf32, #tpu.memory_space<vmem_shared>>)
      tpu.yield
    }) : () -> ()
    %barrier3A = arith.constant 0 : index
    tpu.barrier barrier_id(%barrier3A)
    %sub3A = arith.constant 781 : i32
    %sub3A_3 = arith.subi %sub3A, %add3A : i32
    %jit3A = arith.constant 32 : i32
    %div3A = arith.divsi %sub3A_3, %jit3A : i32
    %sign3A = arith.constant 0 : i32
    %sign3A_4 = arith.cmpi sgt, %sub3A_3, %sign3A : i32
    %sign3A_5 = arith.extui %sign3A_4 : i1 to i32
    %sign3A_6 = arith.constant 0 : i32
    %sign3A_7 = arith.cmpi slt, %sub3A_3, %sign3A_6 : i32
    %sign3A_8 = arith.extui %sign3A_7 : i1 to i32
    %sign3A_9 = arith.subi %sign3A_5, %sign3A_8 : i32
    %sign3A_10 = arith.constant 0 : i32
    %sign3A_11 = arith.cmpi sgt, %jit3A, %sign3A_10 : i32
    %sign3A_12 = arith.extui %sign3A_11 : i1 to i32
    %sign3A_13 = arith.constant 0 : i32
    %sign3A_14 = arith.cmpi slt, %jit3A, %sign3A_13 : i32
    %sign3A_15 = arith.extui %sign3A_14 : i1 to i32
    %sign3A_16 = arith.subi %sign3A_12, %sign3A_15 : i32
    %ne3A = arith.cmpi ne, %sign3A_9, %sign3A_16 : i32
    %rem3A = arith.remsi %sub3A_3, %jit3A : i32
    %ne3A_17 = arith.constant 0 : i32
    %ne3A_18 = arith.cmpi ne, %rem3A, %ne3A_17 : i32
    %and3A = arith.andi %ne3A, %ne3A_18 : i1
    %sub3A_19 = arith.constant 1 : i32
    %sub3A_20 = arith.subi %div3A, %sub3A_19 : i32
    %select_n3A = arith.select %and3A, %sub3A_20, %div3A : i32
    %add3A_21 = arith.constant 1 : i32
    %add3A_22 = arith.addi %select_n3A, %add3A_21 : i32
    %while3A = arith.constant 0 : i32
    %while3A_23 = arith.constant 0 : i32
    %while3A_24 = arith.subi %add3A_22, %while3A_23 : i32
    %while3A_25 = arith.addi %while3A_23, %while3A_24 : i32
    %while3A_26 = arith.constant 1 : i32
    %while3A_27 = arith.divsi %while3A_24, %while3A_26 : i32
    %while3A_28 = arith.muli %while3A_27, %while3A_26 : i32
    %while3A_29 = arith.addi %while3A_23, %while3A_28 : i32
    %while3A_30 = arith.constant 1 : i32
    scf.for %while3A_40 = %while3A_23 to %while3A_29 step %while3A_30  : i32 {
      %mul3A_41 = arith.constant 32 : i32
      %mul3A_42 = arith.muli %while3A_40, %mul3A_41 : i32
      %add3A_43 = arith.addi %add3A, %mul3A_42 : i32
      %mul3A_44 = arith.constant 128 : i32
      %mul3A_45 = arith.muli %add3A_43, %mul3A_44 : i32
      %lt3A = arith.constant 781 : i32
      %lt3A_46 = arith.cmpi slt, %add3A_43, %lt3A : i32
      %convert_element_type3A = arith.extui %lt3A_46 : i1 to i32
      %cond3A = arith.constant 0 : i32
      %cond3A_47 = arith.cmpi ne, %convert_element_type3A, %cond3A : i32
      scf.if %cond3A_47 {
        "tpu.region"() ({
          %run_scoped3A = tpu.sem_alloc : memref<!tpu.dma_semaphore, #tpu.memory_space<semaphore_mem>>
          %dma_start3A = tpu.memref_slice %arg3[%mul3A_45] : memref<100000xi32, #tpu.memory_space<hbm>> -> memref<128xi32, #tpu.memory_space<hbm>>
          %dma_start3A_52 = tpu.memref_slice %arg3[%mul3A_45] : memref<100000xi32, #tpu.memory_space<hbm>> -> memref<128xi32, #tpu.memory_space<hbm>>
          tpu.enqueue_dma source(%dma_start3A_52 : memref<128xi32, #tpu.memory_space<hbm>>) target(%arg7 : memref<128xi32, #tpu.memory_space<vmem>>) target_semaphore(%run_scoped3A : memref<!tpu.dma_semaphore, #tpu.memory_space<semaphore_mem>>)
          %dma_wait3A = tpu.memref_slice %arg3[%mul3A_45] : memref<100000xi32, #tpu.memory_space<hbm>> -> memref<128xi32, #tpu.memory_space<hbm>>
          %dma_wait3A_53 = tpu.memref_slice %arg3[%mul3A_45] : memref<100000xi32, #tpu.memory_space<hbm>> -> memref<128xi32, #tpu.memory_space<hbm>>
          tpu.wait_dma2 semaphore(%run_scoped3A : memref<!tpu.dma_semaphore, #tpu.memory_space<semaphore_mem>>) src(%dma_wait3A_53 : memref<128xi32, #tpu.memory_space<hbm>>) dst(%arg7 : memref<128xi32, #tpu.memory_space<vmem>>)
          tpu.yield
        }) : () -> ()
        "tpu.region"() ({
          %run_scoped3A = tpu.sem_alloc : memref<!tpu.dma_semaphore, #tpu.memory_space<semaphore_mem>>
          %dma_start3A = arith.constant 0 : i32
          %dma_start3A_52 = tpu.memref_slice %arg2[%mul3A_45, %dma_start3A] : memref<100000x128xf32, #tpu.memory_space<hbm>> -> memref<128x128xf32, #tpu.memory_space<hbm>>
          %dma_start3A_53 = arith.constant 0 : i32
          %dma_start3A_54 = tpu.memref_slice %arg2[%mul3A_45, %dma_start3A_53] : memref<100000x128xf32, #tpu.memory_space<hbm>> -> memref<128x128xf32, #tpu.memory_space<hbm>>
          tpu.enqueue_dma source(%dma_start3A_54 : memref<128x128xf32, #tpu.memory_space<hbm>>) target(%arg6 : memref<128x128xf32, #tpu.memory_space<vmem>>) target_semaphore(%run_scoped3A : memref<!tpu.dma_semaphore, #tpu.memory_space<semaphore_mem>>)
          %dma_wait3A = arith.constant 0 : i32
          %dma_wait3A_55 = tpu.memref_slice %arg2[%mul3A_45, %dma_wait3A] : memref<100000x128xf32, #tpu.memory_space<hbm>> -> memref<128x128xf32, #tpu.memory_space<hbm>>
          %dma_wait3A_56 = arith.constant 0 : i32
          %dma_wait3A_57 = tpu.memref_slice %arg2[%mul3A_45, %dma_wait3A_56] : memref<100000x128xf32, #tpu.memory_space<hbm>> -> memref<128x128xf32, #tpu.memory_space<hbm>>
          tpu.wait_dma2 semaphore(%run_scoped3A : memref<!tpu.dma_semaphore, #tpu.memory_space<semaphore_mem>>) src(%dma_wait3A_57 : memref<128x128xf32, #tpu.memory_space<hbm>>) dst(%arg6 : memref<128x128xf32, #tpu.memory_space<vmem>>)
          tpu.yield
        }) : () -> ()
        "tpu.region"() ({
          %run_scoped3A = tpu.sem_alloc : memref<!tpu.dma_semaphore, #tpu.memory_space<semaphore_mem>>
          %dma_start3A = arith.constant 0 : i32
          %dma_start3A_52 = arith.constant 0 : i32
          %dma_start3A_53 = tpu.memref_slice %arg9[%dma_start3A, %dma_start3A_52] : memref<1024x128xf32, #tpu.memory_space<vmem_shared>> -> memref<1024x128xf32, #tpu.memory_space<vmem_shared>>
          tpu.enqueue_indirect_dma source(%arg6 : memref<128x128xf32, #tpu.memory_space<vmem>>) target(%dma_start3A_53 : memref<1024x128xf32, #tpu.memory_space<vmem_shared>>) offsets(%arg7 : memref<128xi32, #tpu.memory_space<vmem>>) semaphore(%run_scoped3A : memref<!tpu.dma_semaphore, #tpu.memory_space<semaphore_mem>>) {add = true}
          %dma_wait3A = arith.constant 0 : i32
          %dma_wait3A_54 = arith.constant 0 : i32
          %dma_wait3A_55 = tpu.memref_slice %arg9[%dma_wait3A, %dma_wait3A_54] : memref<1024x128xf32, #tpu.memory_space<vmem_shared>> -> memref<1024x128xf32, #tpu.memory_space<vmem_shared>>
          tpu.wait_indirect_dma semaphore(%run_scoped3A : memref<!tpu.dma_semaphore, #tpu.memory_space<semaphore_mem>>) src(%arg6 : memref<128x128xf32, #tpu.memory_space<vmem>>) dst(%dma_wait3A_55 : memref<1024x128xf32, #tpu.memory_space<vmem_shared>>)
          tpu.yield
        }) : () -> ()
      } else {
      }
      %eq3A = arith.constant 781 : i32
      %eq3A_48 = arith.cmpi eq, %add3A_43, %eq3A : i32
      %convert_element_type3A_49 = arith.extui %eq3A_48 : i1 to i32
      %cond3A_50 = arith.constant 0 : i32
      %cond3A_51 = arith.cmpi ne, %convert_element_type3A_49, %cond3A_50 : i32
      scf.if %cond3A_51 {
        "tpu.region"() ({
          %run_scoped3A = tpu.sem_alloc : memref<!tpu.dma_semaphore, #tpu.memory_space<semaphore_mem>>
          %dma_start3A = tpu.memref_slice %arg3[%mul3A_45] : memref<100000xi32, #tpu.memory_space<hbm>> -> memref<32xi32, #tpu.memory_space<hbm>>
          %dma_start3A_52 = tpu.memref_slice %arg3[%mul3A_45] : memref<100000xi32, #tpu.memory_space<hbm>> -> memref<32xi32, #tpu.memory_space<hbm>>
          tpu.enqueue_dma source(%dma_start3A_52 : memref<32xi32, #tpu.memory_space<hbm>>) target(%arg8 : memref<32xi32, #tpu.memory_space<vmem>>) target_semaphore(%run_scoped3A : memref<!tpu.dma_semaphore, #tpu.memory_space<semaphore_mem>>)
          %dma_wait3A = tpu.memref_slice %arg3[%mul3A_45] : memref<100000xi32, #tpu.memory_space<hbm>> -> memref<32xi32, #tpu.memory_space<hbm>>
          %dma_wait3A_53 = tpu.memref_slice %arg3[%mul3A_45] : memref<100000xi32, #tpu.memory_space<hbm>> -> memref<32xi32, #tpu.memory_space<hbm>>
          tpu.wait_dma2 semaphore(%run_scoped3A : memref<!tpu.dma_semaphore, #tpu.memory_space<semaphore_mem>>) src(%dma_wait3A_53 : memref<32xi32, #tpu.memory_space<hbm>>) dst(%arg8 : memref<32xi32, #tpu.memory_space<vmem>>)
          tpu.yield
        }) : () -> ()
        "tpu.region"() ({
          %run_scoped3A = tpu.sem_alloc : memref<!tpu.dma_semaphore, #tpu.memory_space<semaphore_mem>>
          %dma_start3A = arith.constant 0 : i32
          %dma_start3A_52 = arith.constant 0 : i32
          %dma_start3A_53 = tpu.memref_slice %arg6[%dma_start3A, %dma_start3A_52] : memref<128x128xf32, #tpu.memory_space<vmem>> -> memref<32x128xf32, #tpu.memory_space<vmem>>
          %dma_start3A_54 = arith.constant 0 : i32
          %dma_start3A_55 = tpu.memref_slice %arg2[%mul3A_45, %dma_start3A_54] : memref<100000x128xf32, #tpu.memory_space<hbm>> -> memref<32x128xf32, #tpu.memory_space<hbm>>
          %dma_start3A_56 = arith.constant 0 : i32
          %dma_start3A_57 = arith.constant 0 : i32
          %dma_start3A_58 = tpu.memref_slice %arg6[%dma_start3A_56, %dma_start3A_57] : memref<128x128xf32, #tpu.memory_space<vmem>> -> memref<32x128xf32, #tpu.memory_space<vmem>>
          %dma_start3A_59 = arith.constant 0 : i32
          %dma_start3A_60 = tpu.memref_slice %arg2[%mul3A_45, %dma_start3A_59] : memref<100000x128xf32, #tpu.memory_space<hbm>> -> memref<32x128xf32, #tpu.memory_space<hbm>>
          tpu.enqueue_dma source(%dma_start3A_60 : memref<32x128xf32, #tpu.memory_space<hbm>>) target(%dma_start3A_58 : memref<32x128xf32, #tpu.memory_space<vmem>>) target_semaphore(%run_scoped3A : memref<!tpu.dma_semaphore, #tpu.memory_space<semaphore_mem>>)
          %dma_wait3A = arith.constant 0 : i32
          %dma_wait3A_61 = arith.constant 0 : i32
          %dma_wait3A_62 = tpu.memref_slice %arg6[%dma_wait3A, %dma_wait3A_61] : memref<128x128xf32, #tpu.memory_space<vmem>> -> memref<32x128xf32, #tpu.memory_space<vmem>>
          %dma_wait3A_63 = arith.constant 0 : i32
          %dma_wait3A_64 = tpu.memref_slice %arg2[%mul3A_45, %dma_wait3A_63] : memref<100000x128xf32, #tpu.memory_space<hbm>> -> memref<32x128xf32, #tpu.memory_space<hbm>>
          %dma_wait3A_65 = arith.constant 0 : i32
          %dma_wait3A_66 = arith.constant 0 : i32
          %dma_wait3A_67 = tpu.memref_slice %arg6[%dma_wait3A_65, %dma_wait3A_66] : memref<128x128xf32, #tpu.memory_space<vmem>> -> memref<32x128xf32, #tpu.memory_space<vmem>>
          %dma_wait3A_68 = arith.constant 0 : i32
          %dma_wait3A_69 = tpu.memref_slice %arg2[%mul3A_45, %dma_wait3A_68] : memref<100000x128xf32, #tpu.memory_space<hbm>> -> memref<32x128xf32, #tpu.memory_space<hbm>>
          tpu.wait_dma2 semaphore(%run_scoped3A : memref<!tpu.dma_semaphore, #tpu.memory_space<semaphore_mem>>) src(%dma_wait3A_69 : memref<32x128xf32, #tpu.memory_space<hbm>>) dst(%dma_wait3A_67 : memref<32x128xf32, #tpu.memory_space<vmem>>)
          tpu.yield
        }) : () -> ()
        "tpu.region"() ({
          %run_scoped3A = tpu.sem_alloc : memref<!tpu.dma_semaphore, #tpu.memory_space<semaphore_mem>>
          %dma_start3A = arith.constant 0 : i32
          %dma_start3A_52 = arith.constant 0 : i32
          %dma_start3A_53 = tpu.memref_slice %arg6[%dma_start3A, %dma_start3A_52] : memref<128x128xf32, #tpu.memory_space<vmem>> -> memref<32x128xf32, #tpu.memory_space<vmem>>
          %dma_start3A_54 = arith.constant 0 : i32
          %dma_start3A_55 = arith.constant 0 : i32
          %dma_start3A_56 = tpu.memref_slice %arg9[%dma_start3A_54, %dma_start3A_55] : memref<1024x128xf32, #tpu.memory_space<vmem_shared>> -> memref<1024x128xf32, #tpu.memory_space<vmem_shared>>
          tpu.enqueue_indirect_dma source(%dma_start3A_53 : memref<32x128xf32, #tpu.memory_space<vmem>>) target(%dma_start3A_56 : memref<1024x128xf32, #tpu.memory_space<vmem_shared>>) offsets(%arg8 : memref<32xi32, #tpu.memory_space<vmem>>) semaphore(%run_scoped3A : memref<!tpu.dma_semaphore, #tpu.memory_space<semaphore_mem>>) {add = true}
          %dma_wait3A = arith.constant 0 : i32
          %dma_wait3A_57 = arith.constant 0 : i32
          %dma_wait3A_58 = tpu.memref_slice %arg6[%dma_wait3A, %dma_wait3A_57] : memref<128x128xf32, #tpu.memory_space<vmem>> -> memref<32x128xf32, #tpu.memory_space<vmem>>
          %dma_wait3A_59 = arith.constant 0 : i32
          %dma_wait3A_60 = arith.constant 0 : i32
          %dma_wait3A_61 = tpu.memref_slice %arg9[%dma_wait3A_59, %dma_wait3A_60] : memref<1024x128xf32, #tpu.memory_space<vmem_shared>> -> memref<1024x128xf32, #tpu.memory_space<vmem_shared>>
          tpu.wait_indirect_dma semaphore(%run_scoped3A : memref<!tpu.dma_semaphore, #tpu.memory_space<semaphore_mem>>) src(%dma_wait3A_58 : memref<32x128xf32, #tpu.memory_space<vmem>>) dst(%dma_wait3A_61 : memref<1024x128xf32, #tpu.memory_space<vmem_shared>>)
          tpu.yield
        }) : () -> ()
      } else {
      }
    }
    %while3A_31 = arith.constant 1 : i32
    scf.for %while3A_40 = %while3A_29 to %while3A_25 step %while3A_31  : i32 {
      %mul3A_41 = arith.constant 32 : i32
      %mul3A_42 = arith.muli %while3A_40, %mul3A_41 : i32
      %add3A_43 = arith.addi %add3A, %mul3A_42 : i32
      %mul3A_44 = arith.constant 128 : i32
      %mul3A_45 = arith.muli %add3A_43, %mul3A_44 : i32
      %lt3A = arith.constant 781 : i32
      %lt3A_46 = arith.cmpi slt, %add3A_43, %lt3A : i32
      %convert_element_type3A = arith.extui %lt3A_46 : i1 to i32
      %cond3A = arith.constant 0 : i32
      %cond3A_47 = arith.cmpi ne, %convert_element_type3A, %cond3A : i32
      scf.if %cond3A_47 {
        "tpu.region"() ({
          %run_scoped3A = tpu.sem_alloc : memref<!tpu.dma_semaphore, #tpu.memory_space<semaphore_mem>>
          %dma_start3A = tpu.memref_slice %arg3[%mul3A_45] : memref<100000xi32, #tpu.memory_space<hbm>> -> memref<128xi32, #tpu.memory_space<hbm>>
          %dma_start3A_52 = tpu.memref_slice %arg3[%mul3A_45] : memref<100000xi32, #tpu.memory_space<hbm>> -> memref<128xi32, #tpu.memory_space<hbm>>
          tpu.enqueue_dma source(%dma_start3A_52 : memref<128xi32, #tpu.memory_space<hbm>>) target(%arg7 : memref<128xi32, #tpu.memory_space<vmem>>) target_semaphore(%run_scoped3A : memref<!tpu.dma_semaphore, #tpu.memory_space<semaphore_mem>>)
          %dma_wait3A = tpu.memref_slice %arg3[%mul3A_45] : memref<100000xi32, #tpu.memory_space<hbm>> -> memref<128xi32, #tpu.memory_space<hbm>>
          %dma_wait3A_53 = tpu.memref_slice %arg3[%mul3A_45] : memref<100000xi32, #tpu.memory_space<hbm>> -> memref<128xi32, #tpu.memory_space<hbm>>
          tpu.wait_dma2 semaphore(%run_scoped3A : memref<!tpu.dma_semaphore, #tpu.memory_space<semaphore_mem>>) src(%dma_wait3A_53 : memref<128xi32, #tpu.memory_space<hbm>>) dst(%arg7 : memref<128xi32, #tpu.memory_space<vmem>>)
          tpu.yield
        }) : () -> ()
        "tpu.region"() ({
          %run_scoped3A = tpu.sem_alloc : memref<!tpu.dma_semaphore, #tpu.memory_space<semaphore_mem>>
          %dma_start3A = arith.constant 0 : i32
          %dma_start3A_52 = tpu.memref_slice %arg2[%mul3A_45, %dma_start3A] : memref<100000x128xf32, #tpu.memory_space<hbm>> -> memref<128x128xf32, #tpu.memory_space<hbm>>
          %dma_start3A_53 = arith.constant 0 : i32
          %dma_start3A_54 = tpu.memref_slice %arg2[%mul3A_45, %dma_start3A_53] : memref<100000x128xf32, #tpu.memory_space<hbm>> -> memref<128x128xf32, #tpu.memory_space<hbm>>
          tpu.enqueue_dma source(%dma_start3A_54 : memref<128x128xf32, #tpu.memory_space<hbm>>) target(%arg6 : memref<128x128xf32, #tpu.memory_space<vmem>>) target_semaphore(%run_scoped3A : memref<!tpu.dma_semaphore, #tpu.memory_space<semaphore_mem>>)
          %dma_wait3A = arith.constant 0 : i32
          %dma_wait3A_55 = tpu.memref_slice %arg2[%mul3A_45, %dma_wait3A] : memref<100000x128xf32, #tpu.memory_space<hbm>> -> memref<128x128xf32, #tpu.memory_space<hbm>>
          %dma_wait3A_56 = arith.constant 0 : i32
          %dma_wait3A_57 = tpu.memref_slice %arg2[%mul3A_45, %dma_wait3A_56] : memref<100000x128xf32, #tpu.memory_space<hbm>> -> memref<128x128xf32, #tpu.memory_space<hbm>>
          tpu.wait_dma2 semaphore(%run_scoped3A : memref<!tpu.dma_semaphore, #tpu.memory_space<semaphore_mem>>) src(%dma_wait3A_57 : memref<128x128xf32, #tpu.memory_space<hbm>>) dst(%arg6 : memref<128x128xf32, #tpu.memory_space<vmem>>)
          tpu.yield
        }) : () -> ()
        "tpu.region"() ({
          %run_scoped3A = tpu.sem_alloc : memref<!tpu.dma_semaphore, #tpu.memory_space<semaphore_mem>>
          %dma_start3A = arith.constant 0 : i32
          %dma_start3A_52 = arith.constant 0 : i32
          %dma_start3A_53 = tpu.memref_slice %arg9[%dma_start3A, %dma_start3A_52] : memref<1024x128xf32, #tpu.memory_space<vmem_shared>> -> memref<1024x128xf32, #tpu.memory_space<vmem_shared>>
          tpu.enqueue_indirect_dma source(%arg6 : memref<128x128xf32, #tpu.memory_space<vmem>>) target(%dma_start3A_53 : memref<1024x128xf32, #tpu.memory_space<vmem_shared>>) offsets(%arg7 : memref<128xi32, #tpu.memory_space<vmem>>) semaphore(%run_scoped3A : memref<!tpu.dma_semaphore, #tpu.memory_space<semaphore_mem>>) {add = true}
          %dma_wait3A = arith.constant 0 : i32
          %dma_wait3A_54 = arith.constant 0 : i32
          %dma_wait3A_55 = tpu.memref_slice %arg9[%dma_wait3A, %dma_wait3A_54] : memref<1024x128xf32, #tpu.memory_space<vmem_shared>> -> memref<1024x128xf32, #tpu.memory_space<vmem_shared>>
          tpu.wait_indirect_dma semaphore(%run_scoped3A : memref<!tpu.dma_semaphore, #tpu.memory_space<semaphore_mem>>) src(%arg6 : memref<128x128xf32, #tpu.memory_space<vmem>>) dst(%dma_wait3A_55 : memref<1024x128xf32, #tpu.memory_space<vmem_shared>>)
          tpu.yield
        }) : () -> ()
      } else {
      }
      %eq3A = arith.constant 781 : i32
      %eq3A_48 = arith.cmpi eq, %add3A_43, %eq3A : i32
      %convert_element_type3A_49 = arith.extui %eq3A_48 : i1 to i32
      %cond3A_50 = arith.constant 0 : i32
      %cond3A_51 = arith.cmpi ne, %convert_element_type3A_49, %cond3A_50 : i32
      scf.if %cond3A_51 {
        "tpu.region"() ({
          %run_scoped3A = tpu.sem_alloc : memref<!tpu.dma_semaphore, #tpu.memory_space<semaphore_mem>>
          %dma_start3A = tpu.memref_slice %arg3[%mul3A_45] : memref<100000xi32, #tpu.memory_space<hbm>> -> memref<32xi32, #tpu.memory_space<hbm>>
          %dma_start3A_52 = tpu.memref_slice %arg3[%mul3A_45] : memref<100000xi32, #tpu.memory_space<hbm>> -> memref<32xi32, #tpu.memory_space<hbm>>
          tpu.enqueue_dma source(%dma_start3A_52 : memref<32xi32, #tpu.memory_space<hbm>>) target(%arg8 : memref<32xi32, #tpu.memory_space<vmem>>) target_semaphore(%run_scoped3A : memref<!tpu.dma_semaphore, #tpu.memory_space<semaphore_mem>>)
          %dma_wait3A = tpu.memref_slice %arg3[%mul3A_45] : memref<100000xi32, #tpu.memory_space<hbm>> -> memref<32xi32, #tpu.memory_space<hbm>>
          %dma_wait3A_53 = tpu.memref_slice %arg3[%mul3A_45] : memref<100000xi32, #tpu.memory_space<hbm>> -> memref<32xi32, #tpu.memory_space<hbm>>
          tpu.wait_dma2 semaphore(%run_scoped3A : memref<!tpu.dma_semaphore, #tpu.memory_space<semaphore_mem>>) src(%dma_wait3A_53 : memref<32xi32, #tpu.memory_space<hbm>>) dst(%arg8 : memref<32xi32, #tpu.memory_space<vmem>>)
          tpu.yield
        }) : () -> ()
        "tpu.region"() ({
          %run_scoped3A = tpu.sem_alloc : memref<!tpu.dma_semaphore, #tpu.memory_space<semaphore_mem>>
          %dma_start3A = arith.constant 0 : i32
          %dma_start3A_52 = arith.constant 0 : i32
          %dma_start3A_53 = tpu.memref_slice %arg6[%dma_start3A, %dma_start3A_52] : memref<128x128xf32, #tpu.memory_space<vmem>> -> memref<32x128xf32, #tpu.memory_space<vmem>>
          %dma_start3A_54 = arith.constant 0 : i32
          %dma_start3A_55 = tpu.memref_slice %arg2[%mul3A_45, %dma_start3A_54] : memref<100000x128xf32, #tpu.memory_space<hbm>> -> memref<32x128xf32, #tpu.memory_space<hbm>>
          %dma_start3A_56 = arith.constant 0 : i32
          %dma_start3A_57 = arith.constant 0 : i32
          %dma_start3A_58 = tpu.memref_slice %arg6[%dma_start3A_56, %dma_start3A_57] : memref<128x128xf32, #tpu.memory_space<vmem>> -> memref<32x128xf32, #tpu.memory_space<vmem>>
          %dma_start3A_59 = arith.constant 0 : i32
          %dma_start3A_60 = tpu.memref_slice %arg2[%mul3A_45, %dma_start3A_59] : memref<100000x128xf32, #tpu.memory_space<hbm>> -> memref<32x128xf32, #tpu.memory_space<hbm>>
          tpu.enqueue_dma source(%dma_start3A_60 : memref<32x128xf32, #tpu.memory_space<hbm>>) target(%dma_start3A_58 : memref<32x128xf32, #tpu.memory_space<vmem>>) target_semaphore(%run_scoped3A : memref<!tpu.dma_semaphore, #tpu.memory_space<semaphore_mem>>)
          %dma_wait3A = arith.constant 0 : i32
          %dma_wait3A_61 = arith.constant 0 : i32
          %dma_wait3A_62 = tpu.memref_slice %arg6[%dma_wait3A, %dma_wait3A_61] : memref<128x128xf32, #tpu.memory_space<vmem>> -> memref<32x128xf32, #tpu.memory_space<vmem>>
          %dma_wait3A_63 = arith.constant 0 : i32
          %dma_wait3A_64 = tpu.memref_slice %arg2[%mul3A_45, %dma_wait3A_63] : memref<100000x128xf32, #tpu.memory_space<hbm>> -> memref<32x128xf32, #tpu.memory_space<hbm>>
          %dma_wait3A_65 = arith.constant 0 : i32
          %dma_wait3A_66 = arith.constant 0 : i32
          %dma_wait3A_67 = tpu.memref_slice %arg6[%dma_wait3A_65, %dma_wait3A_66] : memref<128x128xf32, #tpu.memory_space<vmem>> -> memref<32x128xf32, #tpu.memory_space<vmem>>
          %dma_wait3A_68 = arith.constant 0 : i32
          %dma_wait3A_69 = tpu.memref_slice %arg2[%mul3A_45, %dma_wait3A_68] : memref<100000x128xf32, #tpu.memory_space<hbm>> -> memref<32x128xf32, #tpu.memory_space<hbm>>
          tpu.wait_dma2 semaphore(%run_scoped3A : memref<!tpu.dma_semaphore, #tpu.memory_space<semaphore_mem>>) src(%dma_wait3A_69 : memref<32x128xf32, #tpu.memory_space<hbm>>) dst(%dma_wait3A_67 : memref<32x128xf32, #tpu.memory_space<vmem>>)
          tpu.yield
        }) : () -> ()
        "tpu.region"() ({
          %run_scoped3A = tpu.sem_alloc : memref<!tpu.dma_semaphore, #tpu.memory_space<semaphore_mem>>
          %dma_start3A = arith.constant 0 : i32
          %dma_start3A_52 = arith.constant 0 : i32
          %dma_start3A_53 = tpu.memref_slice %arg6[%dma_start3A, %dma_start3A_52] : memref<128x128xf32, #tpu.memory_space<vmem>> -> memref<32x128xf32, #tpu.memory_space<vmem>>
          %dma_start3A_54 = arith.constant 0 : i32
          %dma_start3A_55 = arith.constant 0 : i32
          %dma_start3A_56 = tpu.memref_slice %arg9[%dma_start3A_54, %dma_start3A_55] : memref<1024x128xf32, #tpu.memory_space<vmem_shared>> -> memref<1024x128xf32, #tpu.memory_space<vmem_shared>>
          tpu.enqueue_indirect_dma source(%dma_start3A_53 : memref<32x128xf32, #tpu.memory_space<vmem>>) target(%dma_start3A_56 : memref<1024x128xf32, #tpu.memory_space<vmem_shared>>) offsets(%arg8 : memref<32xi32, #tpu.memory_space<vmem>>) semaphore(%run_scoped3A : memref<!tpu.dma_semaphore, #tpu.memory_space<semaphore_mem>>) {add = true}
          %dma_wait3A = arith.constant 0 : i32
          %dma_wait3A_57 = arith.constant 0 : i32
          %dma_wait3A_58 = tpu.memref_slice %arg6[%dma_wait3A, %dma_wait3A_57] : memref<128x128xf32, #tpu.memory_space<vmem>> -> memref<32x128xf32, #tpu.memory_space<vmem>>
          %dma_wait3A_59 = arith.constant 0 : i32
          %dma_wait3A_60 = arith.constant 0 : i32
          %dma_wait3A_61 = tpu.memref_slice %arg9[%dma_wait3A_59, %dma_wait3A_60] : memref<1024x128xf32, #tpu.memory_space<vmem_shared>> -> memref<1024x128xf32, #tpu.memory_space<vmem_shared>>
          tpu.wait_indirect_dma semaphore(%run_scoped3A : memref<!tpu.dma_semaphore, #tpu.memory_space<semaphore_mem>>) src(%dma_wait3A_58 : memref<32x128xf32, #tpu.memory_space<vmem>>) dst(%dma_wait3A_61 : memref<1024x128xf32, #tpu.memory_space<vmem_shared>>)
          tpu.yield
        }) : () -> ()
      } else {
      }
    }
    %barrier3A_32 = arith.constant 0 : index
    tpu.barrier barrier_id(%barrier3A_32)
    %mul3A_33 = arith.constant 64 : i32
    %mul3A_34 = arith.muli %arg1, %mul3A_33 : i32
    %mul3A_35 = arith.constant 1024 : i32
    %mul3A_36 = arith.muli %arg0, %mul3A_35 : i32
    %mul3A_37 = arith.constant 64 : i32
    %mul3A_38 = arith.muli %arg1, %mul3A_37 : i32
    %add3A_39 = arith.addi %mul3A_36, %mul3A_38 : i32
    "tpu.region"() ({
      %run_scoped3A = tpu.sem_alloc : memref<!tpu.dma_semaphore, #tpu.memory_space<semaphore_mem>>
      %dma_start3A = arith.constant 0 : i32
      %dma_start3A_40 = tpu.memref_slice %arg5[%add3A_39, %dma_start3A] : memref<2048x128xf32, #tpu.memory_space<hbm>> -> memref<64x128xf32, #tpu.memory_space<hbm>>
      %dma_start3A_41 = arith.constant 0 : i32
      %dma_start3A_42 = tpu.memref_slice %arg9[%mul3A_34, %dma_start3A_41] : memref<1024x128xf32, #tpu.memory_space<vmem_shared>> -> memref<64x128xf32, #tpu.memory_space<vmem_shared>>
      tpu.enqueue_dma source(%dma_start3A_42 : memref<64x128xf32, #tpu.memory_space<vmem_shared>>) target(%dma_start3A_40 : memref<64x128xf32, #tpu.memory_space<hbm>>) target_semaphore(%run_scoped3A : memref<!tpu.dma_semaphore, #tpu.memory_space<semaphore_mem>>)
      %dma_wait3A = arith.constant 0 : i32
      %dma_wait3A_43 = tpu.memref_slice %arg5[%add3A_39, %dma_wait3A] : memref<2048x128xf32, #tpu.memory_space<hbm>> -> memref<64x128xf32, #tpu.memory_space<hbm>>
      %dma_wait3A_44 = arith.constant 0 : i32
      %dma_wait3A_45 = tpu.memref_slice %arg9[%mul3A_34, %dma_wait3A_44] : memref<1024x128xf32, #tpu.memory_space<vmem_shared>> -> memref<64x128xf32, #tpu.memory_space<vmem_shared>>
      tpu.wait_dma2 semaphore(%run_scoped3A : memref<!tpu.dma_semaphore, #tpu.memory_space<semaphore_mem>>) src(%dma_wait3A_45 : memref<64x128xf32, #tpu.memory_space<vmem_shared>>) dst(%dma_wait3A_43 : memref<64x128xf32, #tpu.memory_space<hbm>>)
      tpu.yield
    }) : () -> ()
    return
  }
}

module attributes {stable_mosaic.version = 14 : i64} {
  func.func @_tc_weight_body(%arg0: i32, %arg1: memref<1000x128xf32, #tpu.memory_space<vmem>>, %arg2: memref<128x1xf32, #tpu.memory_space<vmem>>, %arg3: memref<1x1xf32, #tpu.memory_space<vmem>>, %arg4: memref<1000x128xf32, #tpu.memory_space<vmem>>) attributes {dimension_semantics = [#tpu.dimension_semantics<arbitrary>], iteration_bounds = array<i64: 100>, scalar_prefetch = 0 : i64, scratch_operands = 0 : i64, tpu.core_type = #tpu.core_type<tc>, window_params = [{transform_indices = @transform_0, window_bounds = array<i64: 1000, 128>}, {pipeline_mode = #tpu.pipeline_mode<synchronous>, transform_indices = @transform_1, window_bounds = array<i64: 128, 1>}, {pipeline_mode = #tpu.pipeline_mode<synchronous>, transform_indices = @transform_2, window_bounds = array<i64: 1, 1>}, {transform_indices = @transform_3, window_bounds = array<i64: 1000, 128>}]} {
    %get3A = arith.constant 0 : index
    %get3A_0 = arith.constant 0 : index
    %get3A_1 = vector.load %arg1[%get3A, %get3A_0] : memref<1000x128xf32, #tpu.memory_space<vmem>>, vector<1000x128xf32>
    %get3A_2 = arith.constant 0 : index
    %get3A_3 = arith.constant 0 : index
    %get3A_4 = vector.load %arg2[%get3A_2, %get3A_3] : memref<128x1xf32, #tpu.memory_space<vmem>>, vector<128x1xf32>
    %dot_general3A = arith.constant dense<0.000000e+00> : vector<1000x1xf32>
    %dot_general3A_5 = tpu.matmul %get3A_1, %get3A_4, %dot_general3A {dimension_numbers = #tpu.dot_dimension_numbers<[1], [0], [0], [1], [0, 0, 1, 1], [], []>, transpose_lhs_hint = false} : vector<1000x128xf32>, vector<128x1xf32>, vector<1000x1xf32> -> vector<1000x1xf32>
    %get3A_6 = arith.constant 0 : index
    %get3A_7 = arith.constant 0 : index
    %get3A_8 = vector.load %arg3[%get3A_6, %get3A_7] : memref<1x1xf32, #tpu.memory_space<vmem>>, vector<1x1xf32>
    %add3A = vector.broadcast %get3A_8 : vector<1x1xf32> to vector<1000x1xf32>
    %add3A_9 = arith.addf %dot_general3A_5, %add3A : vector<1000x1xf32>
    %logistic3A = arith.negf %add3A_9 : vector<1000x1xf32>
    %logistic3A_10 = math.exp %logistic3A : vector<1000x1xf32>
    %logistic3A_11 = arith.constant 1.000000e+00 : f32
    %logistic3A_12 = vector.broadcast %logistic3A_11 : f32 to vector<1000x1xf32>
    %logistic3A_13 = arith.addf %logistic3A_12, %logistic3A_10 : vector<1000x1xf32>
    %logistic3A_14 = arith.divf %logistic3A_12, %logistic3A_13 : vector<1000x1xf32>
    %mul3A = vector.broadcast %logistic3A_14 : vector<1000x1xf32> to vector<1000x128xf32>
    %mul3A_15 = arith.mulf %get3A_1, %mul3A : vector<1000x128xf32>
    %swap3A = arith.constant 0 : index
    %swap3A_16 = arith.constant 0 : index
    %swap3A_17 = vector.load %arg4[%swap3A, %swap3A_16] : memref<1000x128xf32, #tpu.memory_space<vmem>>, vector<1000x128xf32>
    tpu.vector_store %arg4[%swap3A, %swap3A_16], %mul3A_15 {strides = array<i32>} : memref<1000x128xf32, #tpu.memory_space<vmem>>, vector<1000x128xf32>,
    return
  }
  func.func @transform_0(%arg0: i32) -> (i32, i32) {
    %c0_i32 = arith.constant 0 : i32
    %c0_i32_0 = arith.constant 0 : i32
    return %arg0, %c0_i32 : i32, i32
  }
  func.func @transform_1(%arg0: i32) -> (i32, i32) {
    %c0_i32 = arith.constant 0 : i32
    %c0_i32_0 = arith.constant 0 : i32
    %c0_i32_1 = arith.constant 0 : i32
    return %c0_i32, %c0_i32_0 : i32, i32
  }
  func.func @transform_2(%arg0: i32) -> (i32, i32) {
    %c0_i32 = arith.constant 0 : i32
    %c0_i32_0 = arith.constant 0 : i32
    %c0_i32_1 = arith.constant 0 : i32
    return %c0_i32, %c0_i32_0 : i32, i32
  }
  func.func @transform_3(%arg0: i32) -> (i32, i32) {
    %c0_i32 = arith.constant 0 : i32
    %c0_i32_0 = arith.constant 0 : i32
    return %arg0, %c0_i32 : i32, i32
  }
}

module attributes {stable_mosaic.version = 14 : i64} {
  func.func @_combine_body(%arg0: memref<2x1024x128xf32, #tpu.memory_space<vmem>>, %arg1: memref<1024x128xf32, #tpu.memory_space<vmem>>) attributes {dimension_semantics = [], scalar_prefetch = 0 : i64, scratch_operands = 0 : i64, tpu.core_type = #tpu.core_type<tc>} {
    %get3A = arith.constant 0 : index
    %get3A_0 = arith.constant 0 : index
    %get3A_1 = arith.constant 0 : index
    %get3A_2 = vector.load %arg0[%get3A, %get3A_0, %get3A_1] : memref<2x1024x128xf32, #tpu.memory_space<vmem>>, vector<1x1024x128xf32>
    %get3A_3 = vector.shape_cast %get3A_2 : vector<1x1024x128xf32> to vector<1024x128xf32>
    %get3A_4 = arith.constant 1 : index
    %get3A_5 = arith.constant 0 : index
    %get3A_6 = arith.constant 0 : index
    %get3A_7 = vector.load %arg0[%get3A_4, %get3A_5, %get3A_6] : memref<2x1024x128xf32, #tpu.memory_space<vmem>>, vector<1x1024x128xf32>
    %get3A_8 = vector.shape_cast %get3A_7 : vector<1x1024x128xf32> to vector<1024x128xf32>
    %add3A = arith.addf %get3A_3, %get3A_8 : vector<1024x128xf32>
    %swap3A = arith.constant 0 : index
    %swap3A_9 = arith.constant 0 : index
    %swap3A_10 = vector.load %arg1[%swap3A, %swap3A_9] : memref<1024x128xf32, #tpu.memory_space<vmem>>, vector<1024x128xf32>
    tpu.vector_store %arg1[%swap3A, %swap3A_9], %add3A {strides = array<i32>} : memref<1024x128xf32, #tpu.memory_space<vmem>>, vector<1024x128xf32>,
    return
  }
}

</mosaic_0001>

<sc_bundles>
// kernel: kernel.5.cloned.1.call-start
scs
__scs_entry_jumppad:
0x0: {  	(pc) =	sbr.rel $0x88, $3  }
0x1: {  	(tag) =	ssettag $0x0;
	lr =	simm.s32 $0x1  }
0x2: {  	[smem:$0x3F9D] =	sst lr;
	_ =	strace $0xD0000000  }
0x3: {  	_ = 	snop  }
0x4: {  	_ = 	snop  }
0x5: {  	_ = 	snop  }
0x6: {  	_ = 	snop  }
0x7: {  	_ = 	snop  }
__scs_overlays_trampoline_lowered:
0x8: {  	[smem:$0x3FAC] =	sst s0  }
0x9: {  	[smem:$0x3FAD] =	sst s1  }
0xa: {  	[smem:$0x3FAE] =	sst s2  }
0xb: {  	[smem:$0x3FAF] =	sst s3  }
0xc: {  	[smem:$0x3FB0] =	sst s4  }
0xd: {  	[smem:$0x3FB1] =	sst s5  }
0xe: {  	[smem:$0x3FB2] =	sst s6  }
0xf: {  	[smem:$0x3FB3] =	sst s7  }
0x10: {  	[smem:$0x3FB4] =	sst s8  }
0x11: {  	[smem:$0x3FB5] =	sst s9;
	s0 =	simm.s32 @!p0 $0x0  }
0x12: {  	s1 =	sld [smem:$0x3F9B];
	s0 =	simm.s32 @p0 $0x1  }
0x13: {  	[smem:$0x3FB6] =	sst s0;
	s0 =	simm.s32 @!p1 $0x0  }
0x14: {  	s2 =	sld [smem:$0x3F9A];
	s0 =	simm.s32 @p1 $0x1  }
0x15: {  	[smem:$0x3FB7] =	sst s0;
	s0 =	simm.s32 @!p2 $0x0  }
0x16: {  	s3 =	sld [smem:$0x3FDB];
	s0 =	simm.s32 @p2 $0x1  }
0x17: {  	s4 =	simm.s32 $0x1BF5;
	[smem:$0x3FB9] =	sst s0  }
0x18: {  	s0 =	sld [smem:$0x3F9C];
	_ =	swait.ge [sflag:s4], $0x0  }
0x19: {  	s7 =	sld [smem:$0x3F9D]  }
0x1a: {  	s8 =	sadd.s32 $0xFFFFE003, lr  }
0x1b: {  	s9 =	sadd.s32 $0xFFFFFEF7, lr;
	s5 =	simm.s32 $0xFFFFFFFF;
	p2 =	slt.u32 s8, $0xFFFFF086  }
0x1c: {  	p1 =	slt.u32 s9, $0xF7A;
	s5 =	simm.s32 @!p2 $0x0  }
0x1d: {  	s5 =	simm.s32 @p1 $0x1;
	p0 =	seq.s32 s7, s2  }
0x1e: {  	s7 =	smul.u32 @!p0 $0xF7A, s2;
	p2 =	seq.s32 @!p0 s5, $0x0  }
0x1f: {  	s9 =	smul.u32 $0xF7A, s1;
	s8 =	simm.s32 @!p0 $0x1BF5;
	p2 =	por !p2, p0  }
0x20: {  	[sflag:s8] =	ssyncset.s32 @!p0 $0xFFFFF086;
	s6 =	sadd.s32 @!p0 s3, s7;
	s7 =	simm.s32 @!p0 $0x108  }
0x21: {  	s3 =	sadd.s32 s3, s9;
	s6 =	sadd.s32 @!p0 $0x88, s6;
	s7 =	simm.s32 @p2 $0x1082  }
0x22: {  	[simem:s7], [sflag:s8] =	dma.local @!p0 [hbm:s6], $0xF7A  }
0x23: {  	s9 =	sor.u32 $0xD0000000, s2;
	s6 =	simm.s32 $0x108;
	_ =	swait.ge @!p0 [sflag:s8], $0x0  }
0x24: {  	s3 =	sadd.s32 $0x88, s3;
	s6 =	simm.s32 @!p1 $0x1082;
	[sflag:s4] =	ssyncset.s32 $0xFFFFF086  }
0x25: {  	[simem:s6], [sflag:s4] =	dma.local [hbm:s3], $0xF7A  }
0x26: {  	[smem:$0x3F9D] =	sst s1;
	(tag) =	ssettag s2;
	_ =	strace s9  }
0x27: {  	s1 =	sld [smem:$0x3FAD]  }
0x28: {  	s2 =	sld [smem:$0x3FAE]  }
0x29: {  	s4 =	sld [smem:$0x3FB0]  }
0x2a: {  	p0 =	seq.s32 s5, $0x0;
	s5 =	sld [smem:$0x3FB1]  }
0x2b: {  	s6 =	sld [smem:$0x3FB2]  }
0x2c: {  	s7 =	sld [smem:$0x3FB3]  }
0x2d: {  	s3 =	simm.s32 $0x108;
	s8 =	sld [smem:$0x3FB4]  }
0x2e: {  	s3 =	simm.s32 @!p0 $0x1082;
	s9 =	sld [smem:$0x3FB5]  }
0x2f: {  	lr =	sadd.s32 s0, s3;
	s0 =	sld [smem:$0x3FAC]  }
0x30: {  	s3 =	sld [smem:$0x3FAF]  }
0x31: {  	[smem:$0x3FB8] =	sst s10  }
0x32: {  	s10 =	sld [smem:$0x3FB6];
	_ =	sdelay $0x3  }
0x33: {  	p0 =	seq.s32 s10, $0x1;
	s10 =	sld [smem:$0x3FB8];
	_ =	sdelay $0x3  }
0x34: {  	[smem:$0x3FB8] =	sst s10  }
0x35: {  	s10 =	sld [smem:$0x3FB7];
	_ =	sdelay $0x3  }
0x36: {  	p1 =	seq.s32 s10, $0x1;
	s10 =	sld [smem:$0x3FB8];
	_ =	sdelay $0x3  }
0x37: {  	[smem:$0x3FB8] =	sst s10  }
0x38: {  	s10 =	sld [smem:$0x3FB9]  }
0x39: {  	_ = 	snop;
	(pc) =	sbr.ind lr, $3  }
0x3a: {  	_ = 	snop  }
0x3b: {  	_ = 	snop  }
0x3c: {  	p2 =	seq.s32 s10, $0x1;
	s10 =	sld [smem:$0x3FB8]  }
0x3d: {  	_ =	shalt  }
0x3e: {  	_ =	shalt  }
0x3f: {  	_ =	shalt  }
0x40: {  	_ =	shalt  }
0x41: {  	_ =	shalt  }
0x42: {  	_ =	shalt  }
0x43: {  	_ =	shalt  }
0x44: {  	_ =	shalt  }
0x45: {  	_ =	shalt  }
0x46: {  	_ =	shalt  }
0x47: {  	_ =	shalt  }
0x48: {  	_ =	shalt  }
0x49: {  	_ =	shalt  }
0x4a: {  	_ =	shalt  }
0x4b: {  	_ =	shalt  }
0x4c: {  	_ =	shalt  }
0x4d: {  	_ =	shalt  }
0x4e: {  	_ =	shalt  }
0x4f: {  	_ =	shalt  }
0x50: {  	_ =	shalt  }
0x51: {  	_ =	shalt  }
0x52: {  	_ =	shalt  }
0x53: {  	_ =	shalt  }
0x54: {  	_ =	shalt  }
0x55: {  	_ =	shalt  }
0x56: {  	_ =	shalt  }
0x57: {  	_ =	shalt  }
0x58: {  	_ =	shalt  }
0x59: {  	_ =	shalt  }
0x5a: {  	_ =	shalt  }
0x5b: {  	_ =	shalt  }
0x5c: {  	_ =	shalt  }
0x5d: {  	_ =	shalt  }
0x5e: {  	_ =	shalt  }
0x5f: {  	_ =	shalt  }
0x60: {  	_ =	shalt  }
0x61: {  	_ =	shalt  }
0x62: {  	_ =	shalt  }
0x63: {  	_ =	shalt  }
0x64: {  	_ =	shalt  }
0x65: {  	_ =	shalt  }
0x66: {  	_ =	shalt  }
0x67: {  	_ =	shalt  }
0x68: {  	_ =	shalt  }
0x69: {  	_ =	shalt  }
0x6a: {  	_ =	shalt  }
0x6b: {  	_ =	shalt  }
0x6c: {  	_ =	shalt  }
0x6d: {  	_ =	shalt  }
0x6e: {  	_ =	shalt  }
0x6f: {  	_ =	shalt  }
0x70: {  	_ =	shalt  }
0x71: {  	_ =	shalt  }
0x72: {  	_ =	shalt  }
0x73: {  	_ =	shalt  }
0x74: {  	_ =	shalt  }
0x75: {  	_ =	shalt  }
0x76: {  	_ =	shalt  }
0x77: {  	_ =	shalt  }
0x78: {  	_ =	shalt  }
0x79: {  	_ =	shalt  }
0x7a: {  	_ =	shalt  }
0x7b: {  	_ =	shalt  }
0x7c: {  	_ =	shalt  }
0x7d: {  	_ =	shalt  }
0x7e: {  	_ =	shalt  }
0x7f: {  	_ =	shalt  }
0x80: {  	_ =	shalt  }
0x81: {  	_ =	shalt  }
0x82: {  	_ =	shalt  }
0x83: {  	_ =	shalt  }
0x84: {  	_ =	shalt  }
0x85: {  	_ =	shalt  }
0x86: {  	_ =	shalt  }
0x87: {  	_ =	shalt  }
.Lfunc_end0:
.L_simem_size_0:
called_computation_lowered:
.L_overlay_start_0:
0x88: {  	s2 =	sld [smem:$0x3FD9]  }
0x89: {  	s3 =	sld [smem:$0x3FFE];
	_ =	sdelay $0x1  }
0x8a: {  	s1 =	srdreg.scid  }
0x8b: {  	s0 =	sand.u32 $0x1, s1  }
0x8c: {  	s17 =	sshll.u32 s0, $0xA;
	s2 =	sadd.s32 s3, s2  }
0x8d: {  	s2 =	sadd.s32 s2, s17  }
0x8e: {  	[smem:$0x3FC4] =	sst s2  }
0x8f: {  	_ = 	snop  }
0x90: {  	s2 =	sld [smem:$0x3FC8]  }
0x91: {  	s18 =	sld [smem:$0x3FD0];
	(tm) =	ssettm $0x1  }
0x92: {  	s4 =	sld [smem:$0x3FFB];
	_ =	sdelay $0x3  }
0x93: {  	_ =	strace s4  }
0x94: {  	s4 =	sld [smem:$0x3FFC];
	_ =	sdelay $0x3  }
0x95: {  	_ =	strace s4  }
0x96: {  	s4 =	sld [smem:$0x3FFD];
	_ =	sdelay $0x3  }
0x97: {  	_ =	strace s4  }
0x98: {  	_ =	strace $0x8FFFFFFF  }
0x99: {  	s19 =	sld [smem:$0x3FDB];
	_ =	sdelay $0x1  }
0x9a: {  	s5 =	simm.s32 $_scs_section_size  }
0x9b: {  	s6 =	simm.s32 $_size__tile_overlayer_lowered;
	s7 =	simm.s32 $_tile_overlayer_lowered  }
0x9c: {  	s22 =	simm.s32 $0x1BFF;
	s21 =	sshll.u32 s7, $0x1;
	s4 =	sadd.s32 s5, s19  }
0x9d: {  	s8 =	simm.s32 $0x0;
	s20 =	sshll.u32 s6, $0x1;
	s6 =	sadd.s32 s21, s4  }
0x9e: {  	[timem:s8], [sflag:s22] =	dma.local [hbm:s6], s20  }
0x9f: {  	_ =	swait.ge [sflag:s22], s20  }
0xa0: {  	s5 =	ssub.s32 $0x0, s20;
	[sflag:s22] =	ssyncset.done $0x0  }
0xa1: {  	[sflag:s22] =	ssyncadd.s32 s5;
	_ =	sdelay $0x1  }
0xa2: {  	s23 =	simm.s32 $0x1B8B  }
0xa3: {  	_ =	swait.ge [sflag:s23], $0x1  }
0xa4: {  	[sflag:s23] =	ssyncset.done $0x0  }
0xa5: {  	s25 =	simm.s32 $0x1B8E;
	s24 =	sld [smem:$0x3FFE];
	[sflag:s23] =	ssyncadd.s32 $0xFFFFFFFF  }
0xa6: {  	s26 =	simm.s32 $execute0_lowered;
	[smem:$0x3FD2] =	sst s25  }
0xa7: {  	s6 =	sshll.u32 s26, $0x1;
	_ =	strace $0x80000046;
	[dreg:$0x1] =	wrdreg $0xFFFFFFFF  }
0xa8: {  	s28 =	simm.s32 $_size_execute0_lowered;
	s4 =	sadd.s32 s4, s6;
	[dreg:$0x0] =	wrdreg $0x0  }
0xa9: {  	s6 =	sshll.u32 s28, $0x1;
	[dreg:$0x2] =	wrdreg s4  }
0xaa: {  	[dreg:$0x3] =	wrdreg s6  }
0xab: {  	[dreg:$0x4] =	wrdreg $0xC0  }
0xac: {  	_ =	task [dreg:s8], $0x5FFFF  }
0xad: {  	[dreg:$0x1] =	wrdreg $0xFFFFFFFF  }
0xae: {  	[dreg:$0x0] =	wrdreg $0x60  }
0xaf: {  	[dreg:$0x2] =	wrdreg s24  }
0xb0: {  	[dreg:$0x3] =	wrdreg s2  }
0xb1: {  	[dreg:$0x4] =	wrdreg s18  }
0xb2: {  	[dreg:$0x5] =	wrdreg $0x41000  }
0xb3: {  	[dreg:$0x6] =	wrdreg $0x9  }
0xb4: {  	_ =	task.clear_ibuf [dreg:s8], $0x7FFFF;
	_ =	strace $0x90000046  }
0xb5: {  	s29 =	simm.s32 $0x9;
	_ =	strace $0x80000048  }
0xb6: {  	_ =	swait.ge [sflag:s29], $0x1  }
0xb7: {  	[sflag:s29] =	ssyncadd.s32 $0xFFFFFFFF  }
0xb8: {  	_ =	strace $0x90000048  }
0xb9: {  	_ =	sfence  }
0xba: {  	s30 =	sld [smem:$0x0];
	_ =	sdelay $0x2  }
0xbb: {  	s31 =	sshll.u32 s1, $0xD;
	s1 =	sshrl.u32 s1, $0x2  }
0xbc: {  	s3 =	sand.u32 $0x4000, s31;
	s1 =	sadd.s32 s1, s30  }
0xbd: {  	s0 =	sor.u32 s3, s0;
	s1 =	sshll.u32 s1, $0x11  }
0xbe: {  	s0 =	sor.u32 s1, s0  }
0xbf: {  	s0 =	sadd.s32 $0x8F2B, s0  }
0xc0: {  	[sflag:s0] =	ssyncadd.remote.s32 $0x1  }
0xc1: {  	_ =	sfence.sel $0xFFFF  }
0xc2: {  	[dreg:$0x0] =	wrdreg $0xFFFFFFFF;
	(pc) =	sbr.abs _section_cstart, $3  }
0xc3: {  	[dreg:$0x1] =	wrdreg $0xFFFFFFFF  }
0xc4: {  	_ =	task.clear_ibuf [dreg:s8], $0x2FFFF;
	_ =	strace $0x9FFFFFFF  }
0xc5: {  	(tm) =	ssettm $0x7FFFFFFF  }
tec
execute0_lowered:
.L_overlay_start_1:
0x0: {  	(tag) =	ssettag $0x1  }
0x1: {  	s10 =	rddreg [dreg:$0x0]  }
0x2: {  	s1 =	rddreg [dreg:$0x1]  }
0x3: {  	s2 =	rddreg [dreg:$0x2]  }
0x4: {  	s3 =	rddreg [dreg:$0x3]  }
0x5: {  	s0 =	rddreg [dreg:$0x4];
	s5 =	simm.s32 $0x0;
	s6 =	srdreg.scid  }
0x6: {  	s4 =	stileid.u32;
	[smem:$0x7FF] =	sst s5;
	s15 =	sand.u32 $0x1, s6  }
0x7: {  	s7 =	sshll.u32 s4, $0xA;
	s6 =	sadd.s32 $0x600, s10;
	s28 =	sshll.u32 s4, $0xD  }
0x8: {  	s29 =	sshll.u32 s4, $0x6;
	s9 =	sshll.u32 s4, $0x1;
	s14 =	sshll.u32 s4, $0x5  }
0x9: {  	s31 =	sshll.u32 s4, $0xC;
	_ =	strace $0x80000047;
	s8 =	ssub.s32 $0x2, s15  }
0xa: {  	s11 =	sadd.s32 s7, s10;
	s16 =	sadd.s32 s28, s3;
	s7 =	sor.u32 $0x1C01, s29  }
0xb: {  	s13 =	sshll.u32 s15, $0xE;
	s9 =	sor.u32 s15, s9;
	s10 =	sadd.s32 $0x186E00, s10  }
0xc: {  	s17 =	sshll.u32 s15, $0x4;
	s15 =	sshll.u32 s15, $0xB;
	s26 =	sshrl.u32 s8, $0x1  }
0xd: {  	s11 =	sadd.s32 s13, s11;
	s30 =	ssub.s32 $0x30D, s9;
	s14 =	sor.u32 s17, s14  }
0xe: {  	s15 =	sor.u32 s15, s31;
	s16 =	sshrl.u32 s16, $0x3;
	s17 =	simm.s32 $0x1  }
0xf: {  	s12 =	ssub.s32 s8, s26;
	s8 =	sadd.s32 $0x30D0, s1;
	s13 =	sshrl.u32 s30, $0x5  }
0x10: {  	s11 =	sadd.s32 $0x187000, s11;
	s12 =	smax.u32 s12, $0x1;
	s13 =	sxor.u32 $0xFFFFFFFF, s13  }
.LBB2_1:
0x11: {  	[spmem:s16], [sflag:s7] =	dma.local [hbm:s2], $0x400  }
0x12: {  	s18 =	sadd.s32 $0x1, s13  }
0x13: {  	p1 =	seq.s32 s18, $0x0  }
.Ltmp0:
0x14: {  	_ =	swait.ge [sflag:s17], $0x400;
	(pc) =	sbr.rel @p1 .LBB2_2-.Ltmp0, $4  }
0x15: {  	[sflag:s17] =	ssyncset.done $0x0  }
0x16: {  	[sflag:s17] =	ssyncadd.s32 $0xFFFFFC00  }
0x17: {  	p0 =	sgt.s32 s9, $0x30C;
	[bflag:$0x0] =	sbarrier.arrive $0xFFFF  }
0x18: {  	p2 =	por $0x0, $0x0;
	p4 =	sne.s32 @p0 s9, $0x30D;
	s19 =	sand.u32 @!p0 $0x1FFFFFF0, s14  }
0x19: {  	p2 =	por p4, !p0  }
0x1a: {  	s20 =	simm.s32 @!p2 $0x0;
	s21 =	simm.s32 @!p2 $0x4080;
	s22 =	simm.s32 @!p2 $0x2  }
0x1b: {  	[tilespmem:s21], [sflag:$0x2] =	stream.linear.gather @!p2 [hbm4b:s8+s20], $0x20, $0x38;
	[tilespmem:$0x6100] =	vst v63  }
0x1c: {  	_ =	swait.ge @!p2 [sflag:s22], $0x20  }
0x1d: {  	[sflag:s22] =	ssyncset.done @!p2 $0x0  }
0x1e: {  	[sflag:s22] =	ssyncadd.s32 @!p2 $0xFFFFFFE0  }
0x1f: {  	[tilespmem:s20], [sflag:$0x2] =	stream.linear.gather @!p2 [hbm4b:s10+s20], $0x1000, $0x38;
	[tilespmem:$0x6100] =	vst v63  }
0x20: {  	_ =	swait.ge @!p2 [sflag:s22], $0x1000  }
0x21: {  	[sflag:s22] =	ssyncset.done @!p2 $0x0  }
0x22: {  	s24 =	simm.s32 @!p2 $0x1;
	[sflag:s22] =	ssyncadd.s32 @!p2 $0xFFFFF000;
	s22 =	simm.s32 @!p2 $0x20  }
0x23: {  	[spmem:s3] =	stream.indirect.scatter.add.f32 @!p2 [tilespmem:s20], [sflag:$0x1], $0x80, s21, s22, $0xb8;
	[tilespmem:$0x6100] =	vst v63  }
0x24: {  	p1 =	por p0, p0;
	_ =	swait.ge @!p2 [sflag:s24], $0x1000  }
0x25: {  	s23 =	simm.s32 @!p1 $0x2;
	s19 =	sadd.s32 @!p1 s1, s19;
	[sflag:s24] =	ssyncset.done @!p2 $0x0  }
0x26: {  	s22 =	simm.s32 @!p1 $0x4000;
	[sflag:s24] =	ssyncadd.s32 @!p2 $0xFFFFF000;
	s24 =	simm.s32 @!p1 $0x0  }
0x27: {  	[tilespmem:s22], [sflag:$0x2] =	stream.linear.gather @!p1 [hbm4b:s19+s24], $0x80, $0x38;
	[tilespmem:$0x6100] =	vst v63  }
0x28: {  	_ =	swait.ge @!p1 [sflag:s23], $0x80  }
0x29: {  	s19 =	sand.u32 @!p0 $0x1FFFF800, s15;
	[sflag:s23] =	ssyncset.done @!p1 $0x0  }
0x2a: {  	s20 =	sadd.s32 $0x1, s18;
	s19 =	sadd.s32 @!p0 s6, s19;
	[sflag:s23] =	ssyncadd.s32 @!p1 $0xFFFFFF80  }
0x2b: {  	[tilespmem:s24], [sflag:$0x2] =	stream.linear.gather @!p1 [hbm4b:s19+s24], $0x4000, $0x38;
	[tilespmem:$0x6100] =	vst v63  }
0x2c: {  	s18 =	simm.s32 @!p1 $0x80;
	p3 =	seq.s32 s20, $0x0;
	_ =	swait.ge @!p1 [sflag:s23], $0x4000  }
.Ltmp1:
0x2d: {  	s21 =	sadd.s32 $0x20, s9;
	[sflag:s23] =	ssyncset.done @!p1 $0x0;
	(pc) =	sbr.rel @p3 .LBB2_5-.Ltmp1, $4  }
0x2e: {  	p2 =	por $0x1, $0x1;
	p0 =	sgt.s32 s21, $0x30C;
	[sflag:s23] =	ssyncadd.s32 @!p1 $0xFFFFC000  }
0x2f: {  	[spmem:s3] =	stream.indirect.scatter.add.f32 @!p1 [tilespmem:s24], [sflag:$0x2], $0x80, s22, s18, $0xb8;
	[tilespmem:$0x6100] =	vst v63  }
0x30: {  	p4 =	sne.s32 @p0 s21, $0x30D;
	s22 =	sadd.s32 $0x200, s14;
	_ =	swait.ge @!p1 [sflag:s23], $0x4000  }
0x31: {  	s18 =	sadd.s32 $0x10000, s15;
	s19 =	sand.u32 @!p0 $0x1FFFFFF0, s22;
	[sflag:s23] =	ssyncset.done @!p1 $0x0  }
.LBB2_4:
0x32: {  	p4 =	por p4, !p0;
	s24 =	sand.u32 @!p0 $0x1FFFF800, s18;
	[sflag:s23] =	ssyncadd.s32 @!p1 $0xFFFFC000  }
0x33: {  	s23 =	simm.s32 @!p4 $0x0;
	s25 =	simm.s32 @!p4 $0x4080;
	s26 =	simm.s32 @!p4 $0x2  }
0x34: {  	[tilespmem:s25], [sflag:$0x2] =	stream.linear.gather @!p4 [hbm4b:s8+s23], $0x20, $0x38;
	[tilespmem:$0x6100] =	vst v63  }
0x35: {  	s20 =	sadd.s32 $0x1, s20;
	s24 =	sadd.s32 @!p0 s6, s24;
	_ =	swait.ge @!p4 [sflag:s26], $0x20  }
0x36: {  	p1 =	por p0, p0;
	p3 =	seq.s32 s20, $0x0;
	[sflag:s26] =	ssyncset.done @!p4 $0x0  }
0x37: {  	[sflag:s26] =	ssyncadd.s32 @!p4 $0xFFFFFFE0  }
0x38: {  	[tilespmem:s23], [sflag:$0x2] =	stream.linear.gather @!p4 [hbm4b:s10+s23], $0x1000, $0x38;
	[tilespmem:$0x6100] =	vst v63  }
0x39: {  	_ =	swait.ge @!p4 [sflag:s26], $0x1000  }
0x3a: {  	[sflag:s26] =	ssyncset.done @!p4 $0x0  }
0x3b: {  	s28 =	simm.s32 @!p4 $0x1;
	[sflag:s26] =	ssyncadd.s32 @!p4 $0xFFFFF000;
	s26 =	simm.s32 @!p4 $0x20  }
0x3c: {  	[spmem:s3] =	stream.indirect.scatter.add.f32 @!p4 [tilespmem:s23], [sflag:$0x1], $0x80, s25, s26, $0xb8;
	[tilespmem:$0x6100] =	vst v63  }
0x3d: {  	_ =	swait.ge @!p4 [sflag:s28], $0x1000  }
0x3e: {  	s25 =	simm.s32 @!p1 $0x4000;
	s23 =	simm.s32 @!p1 $0x2;
	[sflag:s28] =	ssyncset.done @!p4 $0x0  }
0x3f: {  	s19 =	sadd.s32 @!p1 s1, s19;
	s26 =	simm.s32 @!p1 $0x0;
	[sflag:s28] =	ssyncadd.s32 @!p4 $0xFFFFF000  }
0x40: {  	[tilespmem:s25], [sflag:$0x2] =	stream.linear.gather @!p1 [hbm4b:s19+s26], $0x80, $0x38;
	[tilespmem:$0x6100] =	vst v63  }
0x41: {  	_ =	swait.ge @!p1 [sflag:s23], $0x80  }
0x42: {  	[sflag:s23] =	ssyncset.done @!p1 $0x0  }
0x43: {  	[sflag:s23] =	ssyncadd.s32 @!p1 $0xFFFFFF80  }
0x44: {  	[tilespmem:s26], [sflag:$0x2] =	stream.linear.gather @!p1 [hbm4b:s24+s26], $0x4000, $0x38;
	[tilespmem:$0x6100] =	vst v63  }
0x45: {  	_ =	swait.ge @!p1 [sflag:s23], $0x4000  }
.Ltmp2:
0x46: {  	s18 =	sadd.s32 $0x10000, s18;
	[sflag:s23] =	ssyncset.done @!p1 $0x0;
	(pc) =	sbr.rel @!p3 .LBB2_4-.Ltmp2, $4  }
0x47: {  	s21 =	sadd.s32 $0x20, s21;
	s19 =	simm.s32 @!p1 $0x80;
	[sflag:s23] =	ssyncadd.s32 @!p1 $0xFFFFC000  }
0x48: {  	[spmem:s3] =	stream.indirect.scatter.add.f32 @!p1 [tilespmem:s26], [sflag:$0x2], $0x80, s25, s19, $0xb8;
	[tilespmem:$0x6100] =	vst v63  }
0x49: {  	s22 =	sadd.s32 $0x200, s22;
	p0 =	sgt.s32 s21, $0x30C;
	_ =	swait.ge @!p1 [sflag:s23], $0x4000  }
0x4a: {  	p4 =	sne.s32 @p0 s21, $0x30D;
	s19 =	sand.u32 @!p0 $0x1FFFFFF0, s22;
	[sflag:s23] =	ssyncset.done @!p1 $0x0  }
.LBB2_5:
0x4b: {  	p1 =	por p1, !p2  }
0x4c: {  	p2 =	por p4, !p0;
	[sflag:s23] =	ssyncadd.s32 @!p1 $0xFFFFC000  }
0x4d: {  	s20 =	simm.s32 @!p2 $0x0;
	s21 =	simm.s32 @!p2 $0x4080;
	s22 =	simm.s32 @!p2 $0x2  }
0x4e: {  	[tilespmem:s21], [sflag:$0x2] =	stream.linear.gather @!p2 [hbm4b:s8+s20], $0x20, $0x38;
	[tilespmem:$0x6100] =	vst v63  }
0x4f: {  	_ =	swait.ge @!p2 [sflag:s22], $0x20  }
0x50: {  	[sflag:s22] =	ssyncset.done @!p2 $0x0  }
0x51: {  	[sflag:s22] =	ssyncadd.s32 @!p2 $0xFFFFFFE0  }
0x52: {  	[tilespmem:s20], [sflag:$0x2] =	stream.linear.gather @!p2 [hbm4b:s10+s20], $0x1000, $0x38;
	[tilespmem:$0x6100] =	vst v63  }
0x53: {  	_ =	swait.ge @!p2 [sflag:s22], $0x1000  }
0x54: {  	[sflag:s22] =	ssyncset.done @!p2 $0x0  }
0x55: {  	s23 =	simm.s32 @!p2 $0x1;
	[sflag:s22] =	ssyncadd.s32 @!p2 $0xFFFFF000;
	s22 =	simm.s32 @!p2 $0x20  }
0x56: {  	[spmem:s3] =	stream.indirect.scatter.add.f32 @!p2 [tilespmem:s20], [sflag:$0x1], $0x80, s21, s22, $0xb8;
	[tilespmem:$0x6100] =	vst v63  }
0x57: {  	p1 =	por p0, p0;
	_ =	swait.ge @!p2 [sflag:s23], $0x1000  }
0x58: {  	s19 =	sadd.s32 @!p1 s1, s19;
	s20 =	simm.s32 @!p1 $0x4000;
	[sflag:s23] =	ssyncset.done @!p2 $0x0  }
0x59: {  	s21 =	simm.s32 @!p1 $0x2;
	s22 =	simm.s32 @!p1 $0x0;
	[sflag:s23] =	ssyncadd.s32 @!p2 $0xFFFFF000  }
0x5a: {  	[tilespmem:s20], [sflag:$0x2] =	stream.linear.gather @!p1 [hbm4b:s19+s22], $0x80, $0x38;
	[tilespmem:$0x6100] =	vst v63  }
0x5b: {  	_ =	swait.ge @!p1 [sflag:s21], $0x80  }
0x5c: {  	s18 =	sand.u32 @!p0 $0x1FFFF800, s18;
	[sflag:s21] =	ssyncset.done @!p1 $0x0  }
0x5d: {  	s18 =	sadd.s32 @!p0 s6, s18;
	[sflag:s21] =	ssyncadd.s32 @!p1 $0xFFFFFF80  }
0x5e: {  	[tilespmem:s22], [sflag:$0x2] =	stream.linear.gather @!p1 [hbm4b:s18+s22], $0x4000, $0x38;
	[tilespmem:$0x6100] =	vst v63  }
0x5f: {  	_ =	swait.ge @!p1 [sflag:s21], $0x4000  }
0x60: {  	[sflag:s21] =	ssyncset.done @!p1 $0x0  }
0x61: {  	s18 =	simm.s32 @!p1 $0x80;
	[sflag:s21] =	ssyncadd.s32 @!p1 $0xFFFFC000  }
0x62: {  	[spmem:s3] =	stream.indirect.scatter.add.f32 @!p1 [tilespmem:s22], [sflag:$0x2], $0x80, s20, s18, $0xb8;
	[tilespmem:$0x6100] =	vst v63  }
0x63: {  	_ =	swait.ge @!p1 [sflag:s21], $0x4000  }
0x64: {  	[sflag:s21] =	ssyncset.done @!p1 $0x0  }
0x65: {  	s5 =	sadd.s32 $0x1, s5;
	[sflag:s21] =	ssyncadd.s32 @!p1 $0xFFFFC000  }
0x66: {  	p0 =	sne.s32 s5, s12;
	[bflag:$0x0] =	sbarrier.arrive $0xFFFF  }
0x67: {  	[hbm:s11], [sflag:s7] =	dma.local [spmem:s16], $0x400  }
.Ltmp3:
0x68: {  	_ = 	snop;
	(pc) =	sbr.rel @p0 .LBB2_1-.Ltmp3, $4  }
.Ltmp4:
0x69: {  	_ = 	snop;
	(pc) =	sbr.rel @!p0 .LBB2_6-.Ltmp4, $4  }
0x6a: {  	_ =	swait.ge [sflag:s17], $0x400  }
0x6b: {  	[sflag:s17] =	ssyncset.done $0x0  }
0x6c: {  	[sflag:s17] =	ssyncadd.s32 $0xFFFFFC00  }
0x6d: {  	_ = 	snop  }
.LBB2_2:
.Ltmp5:
0x6e: {  	(pc) =	sbr.rel .LBB2_5-.Ltmp5, $2  }
0x6f: {  	_ =	sdelay $0x2  }
0x70: {  	s18 =	smov.u32 s15  }
.LBB2_6:
0x71: {  	_ =	sfence.sel $0x180000  }
0x72: {  	[bflag:$0x0] =	sbarrier.arrive $0xFFFF  }
0x73: {  	p0 =	sne.s32 s4, $0x0;
	_ =	strace $0x90000047  }
0x74: {  	s0 =	sadd.s32 @!p0 $0x100000, s0;
	[bflag:$0x2] =	sbarrier.arrive $0xFFFF  }
0x75: {  	[sflag:s0] =	ssyncadd.tile.s32 @!p0 $0x1;
	_ =	shalt  }
.Lfunc_end2:
_tile_overlayer_lowered:
.L_overlay_start_2:
0x76: {  	(tag) =	ssettag $0x2  }
0x77: {  	s0 =	rddreg [dreg:$0x0];
	s2 =	stileid.u32  }
0x78: {  	s1 =	rddreg [dreg:$0x1];
	p0 =	sne.s32 s2, $0x0  }
0x79: {  	s3 =	rddreg [dreg:$0x2];
	[bflag:$0x3] =	sbarrier.arrive $0xFFFF;
	s2 =	simm.s32 @!p0 $0x1C01  }
0x7a: {  	[timem:s3], [sflag:s2] =	dma.local @!p0 [hbm:s0], s1  }
0x7b: {  	s0 =	simm.s32 @!p0 $0x1  }
0x7c: {  	_ =	swait.ge @!p0 [sflag:s0], s1  }
0x7d: {  	s1 =	ssub.s32 @!p0 $0x0, s1;
	[sflag:s0] =	ssyncset.done @!p0 $0x0  }
0x7e: {  	[sflag:s0] =	ssyncadd.s32 @!p0 s1  }
0x7f: {  	[bflag:$0x3] =	sbarrier.arrive $0xFFFF  }
0x80: {  	_ =	shalt  }

</sc_bundles>
